<compile_context>
chip_gen: v7x
topology: tpu7x:2x2x1
jax: 0.10.2.dev20260603
libtpu: 0.0.44.dev20260713+nightly
codegen_flags: <defaults>
</compile_context>

<pallas_src>
import jax
import jax.numpy as jnp
from jax import lax
from jax.experimental import pallas as pl
from jax.experimental.pallas import tpu as pltpu
from jax.experimental.pallas import tpu_sc as plsc

_N = 100000
_B = 16384
_D = 128
_NC = 2
_NS = 16
_L = 16
_NW = _NC * _NS
_SHARD = 3136
_NPAD = _NW * _SHARD
_NVB = _B // _L
_NVS = _SHARD // _L
_G = 128
_NBMAX = -(-_SHARD // _G)


def _sc_body(ids_hbm, msgs_hbm, ts_hbm, msg_out, has_out, ts_out,
             ids_v, ts_v, pos_t, has_t, tsl_t, win_pos, win_node, row_buf,
             sem):
    wid = lax.axis_index("s") * _NC + lax.axis_index("c")
    lo = wid * _SHARD
    iota = lax.iota(jnp.int32, _L)

    pltpu.sync_copy(ids_hbm, ids_v)
    pltpu.sync_copy(ts_hbm, ts_v)

    neg1 = jnp.full((_L,), -1, jnp.int32)

    def init_body(i, carry):
        pos_t[pl.ds(i * _L, _L)] = neg1
        return carry

    lax.fori_loop(0, _NVS, init_body, 0)

    def p1(i, carry):
        ids = ids_v[pl.ds(i * _L, _L)]
        inr = (ids >= lo) & (ids < lo + _SHARD)
        _, lastm = plsc.scan_count(ids, mask=inr)
        m = lastm & inr
        pos = jnp.full((_L,), i * _L, jnp.int32) + iota
        plsc.store_scatter(pos_t, [ids - lo], pos, mask=m)
        return carry

    lax.fori_loop(0, _NVB, p1, 0)

    def p2(i, off):
        posv = pos_t[pl.ds(i * _L, _L)]
        m = posv >= 0
        mi = jnp.where(m, 1, 0).astype(jnp.int32)
        has_t[pl.ds(i * _L, _L)] = mi
        tsv = plsc.load_gather(ts_v, [posv & (_B - 1)], mask=m)
        tsl_t[pl.ds(i * _L, _L)] = jnp.where(m, tsv, jnp.float32(0.0))
        c = plsc.cumsum(mi)
        widx = off + c - 1
        wrow = lax.shift_right_logical(widx, 7)
        wcol = widx & (_G - 1)
        plsc.store_scatter(win_pos, [wrow, wcol], posv, mask=m)
        node = jnp.full((_L,), lo + i * _L, jnp.int32) + iota
        plsc.store_scatter(win_node, [wrow, wcol], node, mask=m)
        return off + jnp.max(c)

    nwin = lax.fori_loop(0, _NVS, p2, jnp.int32(0))

    pltpu.sync_copy(has_t, has_out.at[pl.ds(lo, _SHARD)])
    pltpu.sync_copy(tsl_t, ts_out.at[pl.ds(lo, _SHARD)])

    nblk = (nwin + _G - 1) // _G
    end = nblk * _G
    for j in range(_G // _L):
        idx = nwin + j * _L + iota
        mpad = idx < end
        prow = lax.shift_right_logical(idx, 7)
        pcol = idx & (_G - 1)
        plsc.store_scatter(win_pos, [prow, pcol], neg1, mask=mpad)
        plsc.store_scatter(win_node, [prow, pcol], neg1, mask=mpad)

    def p3(b, carry):
        pltpu.async_copy(
            msgs_hbm.at[plsc.Indices(win_pos.at[b], ignored_value=-1)],
            row_buf, sem).wait()
        pltpu.async_copy(
            row_buf,
            msg_out.at[plsc.Indices(win_node.at[b], ignored_value=-1)],
            sem).wait()
        return carry

    lax.fori_loop(0, nblk, p3, 0)


_sc_call = pl.kernel(
    _sc_body,
    out_type=(
        jax.ShapeDtypeStruct((_NPAD,), jnp.int32),
        jax.ShapeDtypeStruct((_NPAD,), jnp.float32),
    ),
    mesh=plsc.VectorSubcoreMesh(core_axis_name="c", subcore_axis_name="s"),
    compiler_params=pltpu.CompilerParams(needs_layout_passes=False),
    scratch_types=[
        pltpu.VMEM((_B,), jnp.int32),
        pltpu.VMEM((_B,), jnp.float32),
        pltpu.VMEM((_SHARD,), jnp.int32),
        pltpu.VMEM((_SHARD,), jnp.int32),
        pltpu.VMEM((_SHARD,), jnp.float32),
        pltpu.VMEM((_NBMAX, _G), jnp.int32),
        pltpu.VMEM((_NBMAX, _G), jnp.int32),
        pltpu.VMEM((_G, _D), jnp.float32),
        pltpu.SemaphoreType.DMA,
    ],
)


@jax.jit
def kernel(node_ids, messages, timestamps):
    msg_ref = jax.new_ref(jnp.zeros((_N, _D), jnp.float32))
    has_pad, ts_pad = _sc_call(node_ids, messages, timestamps, msg_ref)
    return has_pad[:_N] != 0, jax.freeze(msg_ref), ts_pad[:_N]

# --- scband reference (transcript-rebuilt; emitter-appended) ---
"""Pipeline reference for scband-last-message-aggregator-6167573037388 (READ-ONLY COPY).

The authoritative reference and input builder live on the scoring server;
editing this copy changes nothing except your own understanding.
"""

import jax, jax.numpy as jnp
import numpy as np

N_NODES = 100000
BATCH = 16384
MSG_DIM = 128


def setup_inputs(seed: int = 0) -> dict:
    key = jax.random.key(seed)
    k1, k2, k3 = jax.random.split(key, 3)
    node_ids = jax.random.randint(k1, (BATCH,), 0, N_NODES, dtype=jnp.int32)
    messages = jax.random.normal(k2, (BATCH, MSG_DIM), dtype=jnp.float32)
    timestamps = jax.random.uniform(k3, (BATCH,), dtype=jnp.float32)
    return {"node_ids": node_ids, "messages": messages, "timestamps": timestamps}


def reference(node_ids, messages, timestamps):
    # LastMessageAggregator.aggregate: for every node id appearing in the batch,
    # keep only the LAST (most recent, i.e. highest batch position) message and its
    # timestamp. Dense fixed-shape formulation: the variable-length
    # (to_update_node_ids, unique_messages, unique_timestamps) output is represented
    # as (has_msg mask[N], msg_table[N, d], ts_table[N]).
    B = node_ids.shape[0]
    positions = jnp.arange(B, dtype=jnp.int32)
    # last occurrence position of each node id (segment_max == last index since
    # positions are strictly increasing)
    last_pos = jax.ops.segment_max(positions, node_ids, num_segments=N_NODES)
    counts = jax.ops.segment_sum(jnp.ones((B,), dtype=jnp.int32), node_ids, num_segments=N_NODES)
    has_msg = counts > 0
    safe_pos = jnp.where(has_msg, last_pos, 0)
    msg_table = jnp.where(has_msg[:, None], jnp.take(messages, safe_pos, axis=0), 0.0)
    ts_table = jnp.where(has_msg, jnp.take(timestamps, safe_pos, axis=0), 0.0)
    return has_msg, msg_table, ts_table

if __name__ == "__main__":
    import jax
    _d = setup_inputs()
    print(jax.jit(kernel)(*tuple(_d.values())))

</pallas_src>

<mosaic_0001>
#map = affine_map<(d0, d1) -> (0)>
#map1 = affine_map<(d0, d1) -> (0, 0)>
module attributes {stable_mosaic.version = 14 : i64} {
  func.func @new_body(%arg0: i32, %arg1: i32, %arg2: memref<16384xi32, #tpu.memory_space<hbm>>, %arg3: memref<16384x128xf32, #tpu.memory_space<hbm>>, %arg4: memref<16384xf32, #tpu.memory_space<hbm>>, %arg5: memref<100000x128xf32, #tpu.memory_space<hbm>>, %arg6: memref<100352xi32, #tpu.memory_space<hbm>>, %arg7: memref<100352xf32, #tpu.memory_space<hbm>>, %arg8: memref<100000x128xf32, #tpu.memory_space<hbm>>, %arg9: memref<16384xi32, #tpu.memory_space<vmem>>, %arg10: memref<16384xf32, #tpu.memory_space<vmem>>, %arg11: memref<3136xi32, #tpu.memory_space<vmem>>, %arg12: memref<3136xi32, #tpu.memory_space<vmem>>, %arg13: memref<3136xf32, #tpu.memory_space<vmem>>, %arg14: memref<25x128xi32, #tpu.memory_space<vmem>>, %arg15: memref<25x128xi32, #tpu.memory_space<vmem>>, %arg16: memref<128x128xf32, #tpu.memory_space<vmem>>, %arg17: memref<!tpu.dma_semaphore, #tpu.memory_space<semaphore_mem>>) attributes {dimension_semantics = [#tpu.dimension_semantics<core_parallel>, #tpu.dimension_semantics<subcore_parallel>], iteration_bounds = array<i64: 2, 16>, scalar_prefetch = 0 : i64, scratch_operands = 9 : i64, tpu.core_type = #tpu.core_type<sc_vector_subcore>, window_params = [{transform_indices = #map}, {transform_indices = #map1}, {transform_indices = #map}, {transform_indices = #map1}, {transform_indices = #map}, {transform_indices = #map}, {transform_indices = #map1}]} {
    %mul3A = arith.constant 2 : i32
    %mul3A_0 = arith.muli %arg1, %mul3A : i32
    %add3A = arith.addi %mul3A_0, %arg0 : i32
    %mul3A_1 = arith.constant 3136 : i32
    %mul3A_2 = arith.muli %add3A, %mul3A_1 : i32
    %iota3A = tpu.iota {dimensions = array<i32: 0>} : vector<16xi32>
    "tpu.region"() ({
      %run_scoped3A = tpu.sem_alloc : memref<!tpu.dma_semaphore, #tpu.memory_space<semaphore_mem>>
      tpu.enqueue_dma source(%arg2 : memref<16384xi32, #tpu.memory_space<hbm>>) target(%arg9 : memref<16384xi32, #tpu.memory_space<vmem>>) target_semaphore(%run_scoped3A : memref<!tpu.dma_semaphore, #tpu.memory_space<semaphore_mem>>)
      tpu.wait_dma2 semaphore(%run_scoped3A : memref<!tpu.dma_semaphore, #tpu.memory_space<semaphore_mem>>) src(%arg2 : memref<16384xi32, #tpu.memory_space<hbm>>) dst(%arg9 : memref<16384xi32, #tpu.memory_space<vmem>>)
      tpu.yield
    }) : () -> ()
    "tpu.region"() ({
      %run_scoped3A = tpu.sem_alloc : memref<!tpu.dma_semaphore, #tpu.memory_space<semaphore_mem>>
      tpu.enqueue_dma source(%arg4 : memref<16384xf32, #tpu.memory_space<hbm>>) target(%arg10 : memref<16384xf32, #tpu.memory_space<vmem>>) target_semaphore(%run_scoped3A : memref<!tpu.dma_semaphore, #tpu.memory_space<semaphore_mem>>)
      tpu.wait_dma2 semaphore(%run_scoped3A : memref<!tpu.dma_semaphore, #tpu.memory_space<semaphore_mem>>) src(%arg4 : memref<16384xf32, #tpu.memory_space<hbm>>) dst(%arg10 : memref<16384xf32, #tpu.memory_space<vmem>>)
      tpu.yield
    }) : () -> ()
    %broadcast_in_dim3A = arith.constant -1 : i32
    %broadcast_in_dim3A_3 = vector.broadcast %broadcast_in_dim3A : i32 to vector<16xi32>
    %scan3A = arith.constant 0 : i32
    %scan3A_4 = arith.constant 0 : i32
    %scan3A_5 = arith.constant 196 : i32
    %scan3A_6 = arith.addi %scan3A_4, %scan3A_5 : i32
    %scan3A_7 = arith.constant 1 : i32
    scf.for %scan3A_147 = %scan3A_4 to %scan3A_6 step %scan3A_7  : i32 {
      %mul3A_148 = arith.constant 16 : i32
      %mul3A_149 = arith.muli %scan3A_147, %mul3A_148 : i32
      %swap3A = arith.index_cast %mul3A_149 : i32 to index
      %swap3A_150 = tpu.vector_load %arg11[%swap3A] {strides = array<i32>} : memref<3136xi32, #tpu.memory_space<vmem>>, vector<16xi32>,
      tpu.vector_store %arg11[%swap3A], %broadcast_in_dim3A_3 {strides = array<i32>} : memref<3136xi32, #tpu.memory_space<vmem>>, vector<16xi32>,
    }
    %scan3A_8 = arith.constant 196 : i32
    %scan3A_9 = arith.constant 0 : i32
    %scan3A_10 = arith.constant 0 : i32
    %scan3A_11 = arith.constant 1024 : i32
    %scan3A_12 = arith.addi %scan3A_10, %scan3A_11 : i32
    %scan3A_13 = arith.constant 1 : i32
    scf.for %scan3A_147 = %scan3A_10 to %scan3A_12 step %scan3A_13  : i32 {
      %mul3A_148 = arith.constant 16 : i32
      %mul3A_149 = arith.muli %scan3A_147, %mul3A_148 : i32
      %get3A = arith.index_cast %mul3A_149 : i32 to index
      %get3A_150 = tpu.vector_load %arg9[%get3A] {strides = array<i32>} : memref<16384xi32, #tpu.memory_space<vmem>>, vector<16xi32>,
      %ge3A = vector.broadcast %mul3A_2 : i32 to vector<16xi32>
      %ge3A_151 = arith.cmpi sge, %get3A_150, %ge3A : vector<16xi32>
      %add3A_152 = arith.constant 3136 : i32
      %add3A_153 = arith.addi %mul3A_2, %add3A_152 : i32
      %lt3A_154 = vector.broadcast %add3A_153 : i32 to vector<16xi32>
      %lt3A_155 = arith.cmpi slt, %get3A_150, %lt3A_154 : vector<16xi32>
      %and3A_156 = arith.andi %ge3A_151, %lt3A_155 : vector<16xi1>
      %unique3A, %unique3A_157 = tpu.scan_count mask(%and3A_156 : vector<16xi1>) value(%get3A_150 : vector<16xi32>) : vector<16xi1>, vector<16xi32>
      %and3A_158 = arith.andi %unique3A, %and3A_156 : vector<16xi1>
      %mul3A_159 = arith.constant 16 : i32
      %mul3A_160 = arith.muli %scan3A_147, %mul3A_159 : i32
      %broadcast_in_dim3A_161 = vector.broadcast %mul3A_160 : i32 to vector<16xi32>
      %add3A_162 = arith.addi %broadcast_in_dim3A_161, %iota3A : vector<16xi32>
      %sub3A_163 = vector.broadcast %mul3A_2 : i32 to vector<16xi32>
      %sub3A_164 = arith.subi %get3A_150, %sub3A_163 : vector<16xi32>
      tpu.vector_store_idx %arg11[%sub3A_164], %add3A_162 masked %and3A_158 : memref<3136xi32, #tpu.memory_space<vmem>>[vector<16xi32>], vector<16xi32>, vector<16xi1>
    }
    %scan3A_14 = arith.constant 1024 : i32
    %scan3A_15 = arith.constant 0 : i32
    %scan3A_16 = arith.constant 0 : i32
    %scan3A_17 = arith.constant 196 : i32
    %scan3A_18 = arith.addi %scan3A_16, %scan3A_17 : i32
    %scan3A_19 = arith.constant 1 : i32
    %scan3A_20 = scf.for %scan3A_147 = %scan3A_16 to %scan3A_18 step %scan3A_19 iter_args(%scan3A_148 = %scan3A_15) -> (i32)  : i32 {
      %mul3A_149 = arith.constant 16 : i32
      %mul3A_150 = arith.muli %scan3A_147, %mul3A_149 : i32
      %get3A = arith.index_cast %mul3A_150 : i32 to index
      %get3A_151 = tpu.vector_load %arg11[%get3A] {strides = array<i32>} : memref<3136xi32, #tpu.memory_space<vmem>>, vector<16xi32>,
      %ge3A = arith.constant 0 : i32
      %ge3A_152 = vector.broadcast %ge3A : i32 to vector<16xi32>
      %ge3A_153 = arith.cmpi sge, %get3A_151, %ge3A_152 : vector<16xi32>
      %jit3A_154 = arith.constant 1 : i32
      %jit3A_155 = arith.constant 0 : i32
      %broadcast_in_dim3A_156 = vector.broadcast %jit3A_154 : i32 to vector<16xi32>
      %broadcast_in_dim3A_157 = vector.broadcast %jit3A_155 : i32 to vector<16xi32>
      %select_n3A_158 = arith.select %ge3A_153, %broadcast_in_dim3A_156, %broadcast_in_dim3A_157 : vector<16xi1>, vector<16xi32>
      %mul3A_159 = arith.constant 16 : i32
      %mul3A_160 = arith.muli %scan3A_147, %mul3A_159 : i32
      %swap3A = arith.index_cast %mul3A_160 : i32 to index
      %swap3A_161 = tpu.vector_load %arg12[%swap3A] {strides = array<i32>} : memref<3136xi32, #tpu.memory_space<vmem>>, vector<16xi32>,
      tpu.vector_store %arg12[%swap3A], %select_n3A_158 {strides = array<i32>} : memref<3136xi32, #tpu.memory_space<vmem>>, vector<16xi32>,
      %and3A_162 = arith.constant 16383 : i32
      %and3A_163 = vector.broadcast %and3A_162 : i32 to vector<16xi32>
      %and3A_164 = arith.andi %get3A_151, %and3A_163 : vector<16xi32>
      %gather3A = tpu.vector_load_idx %arg10[%and3A_164] masked %ge3A_153 : memref<16384xf32, #tpu.memory_space<vmem>>[vector<16xi32>], vector<16xf32>, vector<16xi1>
      %jit3A_165 = arith.constant 0.000000e+00 : f32
      %broadcast_in_dim3A_166 = vector.broadcast %jit3A_165 : f32 to vector<16xf32>
      %select_n3A_167 = arith.select %ge3A_153, %gather3A, %broadcast_in_dim3A_166 : vector<16xi1>, vector<16xf32>
      %mul3A_168 = arith.constant 16 : i32
      %mul3A_169 = arith.muli %scan3A_147, %mul3A_168 : i32
      %swap3A_170 = arith.index_cast %mul3A_169 : i32 to index
      %swap3A_171 = tpu.vector_load %arg13[%swap3A_170] {strides = array<i32>} : memref<3136xf32, #tpu.memory_space<vmem>>, vector<16xf32>,
      tpu.vector_store %arg13[%swap3A_170], %select_n3A_167 {strides = array<i32>} : memref<3136xf32, #tpu.memory_space<vmem>>, vector<16xf32>,
      %broadcast_in_dim3A_172 = arith.constant true
      %broadcast_in_dim3A_173 = vector.broadcast %broadcast_in_dim3A_172 : i1 to vector<16xi1>
      %masked_cumsum3A = tpu.scan <sum>, %select_n3A_158 masked %broadcast_in_dim3A_173 : vector<16xi32>, vector<16xi1> -> vector<16xi32>
      %add3A_174 = vector.broadcast %scan3A_148 : i32 to vector<16xi32>
      %add3A_175 = arith.addi %add3A_174, %masked_cumsum3A : vector<16xi32>
      %sub3A_176 = arith.constant 1 : i32
      %sub3A_177 = vector.broadcast %sub3A_176 : i32 to vector<16xi32>
      %sub3A_178 = arith.subi %add3A_175, %sub3A_177 : vector<16xi32>
      %shift_right_logical3A_179 = arith.constant 7 : i32
      %shift_right_logical3A_180 = vector.broadcast %shift_right_logical3A_179 : i32 to vector<16xi32>
      %shift_right_logical3A_181 = arith.shrui %sub3A_178, %shift_right_logical3A_180 : vector<16xi32>
      %and3A_182 = arith.constant 127 : i32
      %and3A_183 = vector.broadcast %and3A_182 : i32 to vector<16xi32>
      %and3A_184 = arith.andi %sub3A_178, %and3A_183 : vector<16xi32>
      tpu.vector_store_idx %arg14[%shift_right_logical3A_181, %and3A_184], %get3A_151 masked %ge3A_153 : memref<25x128xi32, #tpu.memory_space<vmem>>[vector<16xi32>, vector<16xi32>], vector<16xi32>, vector<16xi1>
      %mul3A_185 = arith.constant 16 : i32
      %mul3A_186 = arith.muli %scan3A_147, %mul3A_185 : i32
      %add3A_187 = arith.addi %mul3A_2, %mul3A_186 : i32
      %broadcast_in_dim3A_188 = vector.broadcast %add3A_187 : i32 to vector<16xi32>
      %add3A_189 = arith.addi %broadcast_in_dim3A_188, %iota3A : vector<16xi32>
      tpu.vector_store_idx %arg15[%shift_right_logical3A_181, %and3A_184], %add3A_189 masked %ge3A_153 : memref<25x128xi32, #tpu.memory_space<vmem>>[vector<16xi32>, vector<16xi32>], vector<16xi32>, vector<16xi1>
      %reduce_max3A = arith.constant true
      %reduce_max3A_190 = vector.broadcast %reduce_max3A : i1 to vector<16xi1>
      %reduce_max3A_191 = arith.constant -2147483648 : i32
      %reduce_max3A_192 = vector.broadcast %reduce_max3A_191 : i32 to vector<16xi32>
      %reduce_max3A_193 = arith.xori %masked_cumsum3A, %reduce_max3A_192 : vector<16xi32>
      %reduce_max3A_194 = tpu.scan <max>, %reduce_max3A_193 masked %reduce_max3A_190 : vector<16xi32>, vector<16xi1> -> vector<16xi32>
      %reduce_max3A_195 = arith.xori %reduce_max3A_194, %reduce_max3A_192 : vector<16xi32>
      %reduce_max3A_196 = vector.extract %reduce_max3A_195[15] : i32 from vector<16xi32>
      %add3A_197 = arith.addi %scan3A_148, %reduce_max3A_196 : i32
      scf.yield %add3A_197 : i32
    }
    %scan3A_21 = arith.constant 196 : i32
    "tpu.region"() ({
      %run_scoped3A = tpu.sem_alloc : memref<!tpu.dma_semaphore, #tpu.memory_space<semaphore_mem>>
      %dma_start3A = tpu.memref_slice %arg6[%mul3A_2] : memref<100352xi32, #tpu.memory_space<hbm>> -> memref<3136xi32, #tpu.memory_space<hbm>>
      %dma_start3A_147 = tpu.memref_slice %arg6[%mul3A_2] : memref<100352xi32, #tpu.memory_space<hbm>> -> memref<3136xi32, #tpu.memory_space<hbm>>
      tpu.enqueue_dma source(%arg12 : memref<3136xi32, #tpu.memory_space<vmem>>) target(%dma_start3A_147 : memref<3136xi32, #tpu.memory_space<hbm>>) target_semaphore(%run_scoped3A : memref<!tpu.dma_semaphore, #tpu.memory_space<semaphore_mem>>)
      %dma_wait3A = tpu.memref_slice %arg6[%mul3A_2] : memref<100352xi32, #tpu.memory_space<hbm>> -> memref<3136xi32, #tpu.memory_space<hbm>>
      %dma_wait3A_148 = tpu.memref_slice %arg6[%mul3A_2] : memref<100352xi32, #tpu.memory_space<hbm>> -> memref<3136xi32, #tpu.memory_space<hbm>>
      tpu.wait_dma2 semaphore(%run_scoped3A : memref<!tpu.dma_semaphore, #tpu.memory_space<semaphore_mem>>) src(%arg12 : memref<3136xi32, #tpu.memory_space<vmem>>) dst(%dma_wait3A_148 : memref<3136xi32, #tpu.memory_space<hbm>>)
      tpu.yield
    }) : () -> ()
    "tpu.region"() ({
      %run_scoped3A = tpu.sem_alloc : memref<!tpu.dma_semaphore, #tpu.memory_space<semaphore_mem>>
      %dma_start3A = tpu.memref_slice %arg7[%mul3A_2] : memref<100352xf32, #tpu.memory_space<hbm>> -> memref<3136xf32, #tpu.memory_space<hbm>>
      %dma_start3A_147 = tpu.memref_slice %arg7[%mul3A_2] : memref<100352xf32, #tpu.memory_space<hbm>> -> memref<3136xf32, #tpu.memory_space<hbm>>
      tpu.enqueue_dma source(%arg13 : memref<3136xf32, #tpu.memory_space<vmem>>) target(%dma_start3A_147 : memref<3136xf32, #tpu.memory_space<hbm>>) target_semaphore(%run_scoped3A : memref<!tpu.dma_semaphore, #tpu.memory_space<semaphore_mem>>)
      %dma_wait3A = tpu.memref_slice %arg7[%mul3A_2] : memref<100352xf32, #tpu.memory_space<hbm>> -> memref<3136xf32, #tpu.memory_space<hbm>>
      %dma_wait3A_148 = tpu.memref_slice %arg7[%mul3A_2] : memref<100352xf32, #tpu.memory_space<hbm>> -> memref<3136xf32, #tpu.memory_space<hbm>>
      tpu.wait_dma2 semaphore(%run_scoped3A : memref<!tpu.dma_semaphore, #tpu.memory_space<semaphore_mem>>) src(%arg13 : memref<3136xf32, #tpu.memory_space<vmem>>) dst(%dma_wait3A_148 : memref<3136xf32, #tpu.memory_space<hbm>>)
      tpu.yield
    }) : () -> ()
    %add3A_22 = arith.constant 128 : i32
    %add3A_23 = arith.addi %scan3A_20, %add3A_22 : i32
    %sub3A = arith.constant 1 : i32
    %sub3A_24 = arith.subi %add3A_23, %sub3A : i32
    %jit3A = arith.constant 128 : i32
    %div3A = arith.divsi %sub3A_24, %jit3A : i32
    %sign3A = arith.constant 0 : i32
    %sign3A_25 = arith.cmpi sgt, %sub3A_24, %sign3A : i32
    %sign3A_26 = arith.extui %sign3A_25 : i1 to i32
    %sign3A_27 = arith.constant 0 : i32
    %sign3A_28 = arith.cmpi slt, %sub3A_24, %sign3A_27 : i32
    %sign3A_29 = arith.extui %sign3A_28 : i1 to i32
    %sign3A_30 = arith.subi %sign3A_26, %sign3A_29 : i32
    %sign3A_31 = arith.constant 0 : i32
    %sign3A_32 = arith.cmpi sgt, %jit3A, %sign3A_31 : i32
    %sign3A_33 = arith.extui %sign3A_32 : i1 to i32
    %sign3A_34 = arith.constant 0 : i32
    %sign3A_35 = arith.cmpi slt, %jit3A, %sign3A_34 : i32
    %sign3A_36 = arith.extui %sign3A_35 : i1 to i32
    %sign3A_37 = arith.subi %sign3A_33, %sign3A_36 : i32
    %ne3A = arith.cmpi ne, %sign3A_30, %sign3A_37 : i32
    %rem3A = arith.remsi %sub3A_24, %jit3A : i32
    %ne3A_38 = arith.constant 0 : i32
    %ne3A_39 = arith.cmpi ne, %rem3A, %ne3A_38 : i32
    %and3A = arith.andi %ne3A, %ne3A_39 : i1
    %sub3A_40 = arith.constant 1 : i32
    %sub3A_41 = arith.subi %div3A, %sub3A_40 : i32
    %select_n3A = arith.select %and3A, %sub3A_41, %div3A : i32
    %mul3A_42 = arith.constant 128 : i32
    %mul3A_43 = arith.muli %select_n3A, %mul3A_42 : i32
    %add3A_44 = arith.constant 0 : i32
    %add3A_45 = arith.addi %scan3A_20, %add3A_44 : i32
    %add3A_46 = vector.broadcast %add3A_45 : i32 to vector<16xi32>
    %add3A_47 = arith.addi %add3A_46, %iota3A : vector<16xi32>
    %lt3A = vector.broadcast %mul3A_43 : i32 to vector<16xi32>
    %lt3A_48 = arith.cmpi slt, %add3A_47, %lt3A : vector<16xi32>
    %shift_right_logical3A = arith.constant 7 : i32
    %shift_right_logical3A_49 = vector.broadcast %shift_right_logical3A : i32 to vector<16xi32>
    %shift_right_logical3A_50 = arith.shrui %add3A_47, %shift_right_logical3A_49 : vector<16xi32>
    %and3A_51 = arith.constant 127 : i32
    %and3A_52 = vector.broadcast %and3A_51 : i32 to vector<16xi32>
    %and3A_53 = arith.andi %add3A_47, %and3A_52 : vector<16xi32>
    tpu.vector_store_idx %arg14[%shift_right_logical3A_50, %and3A_53], %broadcast_in_dim3A_3 masked %lt3A_48 : memref<25x128xi32, #tpu.memory_space<vmem>>[vector<16xi32>, vector<16xi32>], vector<16xi32>, vector<16xi1>
    tpu.vector_store_idx %arg15[%shift_right_logical3A_50, %and3A_53], %broadcast_in_dim3A_3 masked %lt3A_48 : memref<25x128xi32, #tpu.memory_space<vmem>>[vector<16xi32>, vector<16xi32>], vector<16xi32>, vector<16xi1>
    %add3A_54 = arith.constant 16 : i32
    %add3A_55 = arith.addi %scan3A_20, %add3A_54 : i32
    %add3A_56 = vector.broadcast %add3A_55 : i32 to vector<16xi32>
    %add3A_57 = arith.addi %add3A_56, %iota3A : vector<16xi32>
    %lt3A_58 = vector.broadcast %mul3A_43 : i32 to vector<16xi32>
    %lt3A_59 = arith.cmpi slt, %add3A_57, %lt3A_58 : vector<16xi32>
    %shift_right_logical3A_60 = arith.constant 7 : i32
    %shift_right_logical3A_61 = vector.broadcast %shift_right_logical3A_60 : i32 to vector<16xi32>
    %shift_right_logical3A_62 = arith.shrui %add3A_57, %shift_right_logical3A_61 : vector<16xi32>
    %and3A_63 = arith.constant 127 : i32
    %and3A_64 = vector.broadcast %and3A_63 : i32 to vector<16xi32>
    %and3A_65 = arith.andi %add3A_57, %and3A_64 : vector<16xi32>
    tpu.vector_store_idx %arg14[%shift_right_logical3A_62, %and3A_65], %broadcast_in_dim3A_3 masked %lt3A_59 : memref<25x128xi32, #tpu.memory_space<vmem>>[vector<16xi32>, vector<16xi32>], vector<16xi32>, vector<16xi1>
    tpu.vector_store_idx %arg15[%shift_right_logical3A_62, %and3A_65], %broadcast_in_dim3A_3 masked %lt3A_59 : memref<25x128xi32, #tpu.memory_space<vmem>>[vector<16xi32>, vector<16xi32>], vector<16xi32>, vector<16xi1>
    %add3A_66 = arith.constant 32 : i32
    %add3A_67 = arith.addi %scan3A_20, %add3A_66 : i32
    %add3A_68 = vector.broadcast %add3A_67 : i32 to vector<16xi32>
    %add3A_69 = arith.addi %add3A_68, %iota3A : vector<16xi32>
    %lt3A_70 = vector.broadcast %mul3A_43 : i32 to vector<16xi32>
    %lt3A_71 = arith.cmpi slt, %add3A_69, %lt3A_70 : vector<16xi32>
    %shift_right_logical3A_72 = arith.constant 7 : i32
    %shift_right_logical3A_73 = vector.broadcast %shift_right_logical3A_72 : i32 to vector<16xi32>
    %shift_right_logical3A_74 = arith.shrui %add3A_69, %shift_right_logical3A_73 : vector<16xi32>
    %and3A_75 = arith.constant 127 : i32
    %and3A_76 = vector.broadcast %and3A_75 : i32 to vector<16xi32>
    %and3A_77 = arith.andi %add3A_69, %and3A_76 : vector<16xi32>
    tpu.vector_store_idx %arg14[%shift_right_logical3A_74, %and3A_77], %broadcast_in_dim3A_3 masked %lt3A_71 : memref<25x128xi32, #tpu.memory_space<vmem>>[vector<16xi32>, vector<16xi32>], vector<16xi32>, vector<16xi1>
    tpu.vector_store_idx %arg15[%shift_right_logical3A_74, %and3A_77], %broadcast_in_dim3A_3 masked %lt3A_71 : memref<25x128xi32, #tpu.memory_space<vmem>>[vector<16xi32>, vector<16xi32>], vector<16xi32>, vector<16xi1>
    %add3A_78 = arith.constant 48 : i32
    %add3A_79 = arith.addi %scan3A_20, %add3A_78 : i32
    %add3A_80 = vector.broadcast %add3A_79 : i32 to vector<16xi32>
    %add3A_81 = arith.addi %add3A_80, %iota3A : vector<16xi32>
    %lt3A_82 = vector.broadcast %mul3A_43 : i32 to vector<16xi32>
    %lt3A_83 = arith.cmpi slt, %add3A_81, %lt3A_82 : vector<16xi32>
    %shift_right_logical3A_84 = arith.constant 7 : i32
    %shift_right_logical3A_85 = vector.broadcast %shift_right_logical3A_84 : i32 to vector<16xi32>
    %shift_right_logical3A_86 = arith.shrui %add3A_81, %shift_right_logical3A_85 : vector<16xi32>
    %and3A_87 = arith.constant 127 : i32
    %and3A_88 = vector.broadcast %and3A_87 : i32 to vector<16xi32>
    %and3A_89 = arith.andi %add3A_81, %and3A_88 : vector<16xi32>
    tpu.vector_store_idx %arg14[%shift_right_logical3A_86, %and3A_89], %broadcast_in_dim3A_3 masked %lt3A_83 : memref<25x128xi32, #tpu.memory_space<vmem>>[vector<16xi32>, vector<16xi32>], vector<16xi32>, vector<16xi1>
    tpu.vector_store_idx %arg15[%shift_right_logical3A_86, %and3A_89], %broadcast_in_dim3A_3 masked %lt3A_83 : memref<25x128xi32, #tpu.memory_space<vmem>>[vector<16xi32>, vector<16xi32>], vector<16xi32>, vector<16xi1>
    %add3A_90 = arith.constant 64 : i32
    %add3A_91 = arith.addi %scan3A_20, %add3A_90 : i32
    %add3A_92 = vector.broadcast %add3A_91 : i32 to vector<16xi32>
    %add3A_93 = arith.addi %add3A_92, %iota3A : vector<16xi32>
    %lt3A_94 = vector.broadcast %mul3A_43 : i32 to vector<16xi32>
    %lt3A_95 = arith.cmpi slt, %add3A_93, %lt3A_94 : vector<16xi32>
    %shift_right_logical3A_96 = arith.constant 7 : i32
    %shift_right_logical3A_97 = vector.broadcast %shift_right_logical3A_96 : i32 to vector<16xi32>
    %shift_right_logical3A_98 = arith.shrui %add3A_93, %shift_right_logical3A_97 : vector<16xi32>
    %and3A_99 = arith.constant 127 : i32
    %and3A_100 = vector.broadcast %and3A_99 : i32 to vector<16xi32>
    %and3A_101 = arith.andi %add3A_93, %and3A_100 : vector<16xi32>
    tpu.vector_store_idx %arg14[%shift_right_logical3A_98, %and3A_101], %broadcast_in_dim3A_3 masked %lt3A_95 : memref<25x128xi32, #tpu.memory_space<vmem>>[vector<16xi32>, vector<16xi32>], vector<16xi32>, vector<16xi1>
    tpu.vector_store_idx %arg15[%shift_right_logical3A_98, %and3A_101], %broadcast_in_dim3A_3 masked %lt3A_95 : memref<25x128xi32, #tpu.memory_space<vmem>>[vector<16xi32>, vector<16xi32>], vector<16xi32>, vector<16xi1>
    %add3A_102 = arith.constant 80 : i32
    %add3A_103 = arith.addi %scan3A_20, %add3A_102 : i32
    %add3A_104 = vector.broadcast %add3A_103 : i32 to vector<16xi32>
    %add3A_105 = arith.addi %add3A_104, %iota3A : vector<16xi32>
    %lt3A_106 = vector.broadcast %mul3A_43 : i32 to vector<16xi32>
    %lt3A_107 = arith.cmpi slt, %add3A_105, %lt3A_106 : vector<16xi32>
    %shift_right_logical3A_108 = arith.constant 7 : i32
    %shift_right_logical3A_109 = vector.broadcast %shift_right_logical3A_108 : i32 to vector<16xi32>
    %shift_right_logical3A_110 = arith.shrui %add3A_105, %shift_right_logical3A_109 : vector<16xi32>
    %and3A_111 = arith.constant 127 : i32
    %and3A_112 = vector.broadcast %and3A_111 : i32 to vector<16xi32>
    %and3A_113 = arith.andi %add3A_105, %and3A_112 : vector<16xi32>
    tpu.vector_store_idx %arg14[%shift_right_logical3A_110, %and3A_113], %broadcast_in_dim3A_3 masked %lt3A_107 : memref<25x128xi32, #tpu.memory_space<vmem>>[vector<16xi32>, vector<16xi32>], vector<16xi32>, vector<16xi1>
    tpu.vector_store_idx %arg15[%shift_right_logical3A_110, %and3A_113], %broadcast_in_dim3A_3 masked %lt3A_107 : memref<25x128xi32, #tpu.memory_space<vmem>>[vector<16xi32>, vector<16xi32>], vector<16xi32>, vector<16xi1>
    %add3A_114 = arith.constant 96 : i32
    %add3A_115 = arith.addi %scan3A_20, %add3A_114 : i32
    %add3A_116 = vector.broadcast %add3A_115 : i32 to vector<16xi32>
    %add3A_117 = arith.addi %add3A_116, %iota3A : vector<16xi32>
    %lt3A_118 = vector.broadcast %mul3A_43 : i32 to vector<16xi32>
    %lt3A_119 = arith.cmpi slt, %add3A_117, %lt3A_118 : vector<16xi32>
    %shift_right_logical3A_120 = arith.constant 7 : i32
    %shift_right_logical3A_121 = vector.broadcast %shift_right_logical3A_120 : i32 to vector<16xi32>
    %shift_right_logical3A_122 = arith.shrui %add3A_117, %shift_right_logical3A_121 : vector<16xi32>
    %and3A_123 = arith.constant 127 : i32
    %and3A_124 = vector.broadcast %and3A_123 : i32 to vector<16xi32>
    %and3A_125 = arith.andi %add3A_117, %and3A_124 : vector<16xi32>
    tpu.vector_store_idx %arg14[%shift_right_logical3A_122, %and3A_125], %broadcast_in_dim3A_3 masked %lt3A_119 : memref<25x128xi32, #tpu.memory_space<vmem>>[vector<16xi32>, vector<16xi32>], vector<16xi32>, vector<16xi1>
    tpu.vector_store_idx %arg15[%shift_right_logical3A_122, %and3A_125], %broadcast_in_dim3A_3 masked %lt3A_119 : memref<25x128xi32, #tpu.memory_space<vmem>>[vector<16xi32>, vector<16xi32>], vector<16xi32>, vector<16xi1>
    %add3A_126 = arith.constant 112 : i32
    %add3A_127 = arith.addi %scan3A_20, %add3A_126 : i32
    %add3A_128 = vector.broadcast %add3A_127 : i32 to vector<16xi32>
    %add3A_129 = arith.addi %add3A_128, %iota3A : vector<16xi32>
    %lt3A_130 = vector.broadcast %mul3A_43 : i32 to vector<16xi32>
    %lt3A_131 = arith.cmpi slt, %add3A_129, %lt3A_130 : vector<16xi32>
    %shift_right_logical3A_132 = arith.constant 7 : i32
    %shift_right_logical3A_133 = vector.broadcast %shift_right_logical3A_132 : i32 to vector<16xi32>
    %shift_right_logical3A_134 = arith.shrui %add3A_129, %shift_right_logical3A_133 : vector<16xi32>
    %and3A_135 = arith.constant 127 : i32
    %and3A_136 = vector.broadcast %and3A_135 : i32 to vector<16xi32>
    %and3A_137 = arith.andi %add3A_129, %and3A_136 : vector<16xi32>
    tpu.vector_store_idx %arg14[%shift_right_logical3A_134, %and3A_137], %broadcast_in_dim3A_3 masked %lt3A_131 : memref<25x128xi32, #tpu.memory_space<vmem>>[vector<16xi32>, vector<16xi32>], vector<16xi32>, vector<16xi1>
    tpu.vector_store_idx %arg15[%shift_right_logical3A_134, %and3A_137], %broadcast_in_dim3A_3 masked %lt3A_131 : memref<25x128xi32, #tpu.memory_space<vmem>>[vector<16xi32>, vector<16xi32>], vector<16xi32>, vector<16xi1>
    %while3A = arith.constant 0 : i32
    %while3A_138 = arith.constant 0 : i32
    %while3A_139 = arith.subi %select_n3A, %while3A_138 : i32
    %while3A_140 = arith.addi %while3A_138, %while3A_139 : i32
    %while3A_141 = arith.constant 1 : i32
    %while3A_142 = arith.divsi %while3A_139, %while3A_141 : i32
    %while3A_143 = arith.muli %while3A_142, %while3A_141 : i32
    %while3A_144 = arith.addi %while3A_138, %while3A_143 : i32
    %while3A_145 = arith.constant 1 : i32
    scf.for %while3A_147 = %while3A_138 to %while3A_144 step %while3A_145  : i32 {
      %dma_start3A = arith.constant 0 : i32
      %dma_start3A_148 = tpu.memref_slice %arg14[%while3A_147, %dma_start3A] : memref<25x128xi32, #tpu.memory_space<vmem>> -> memref<1x128xi32, #tpu.memory_space<vmem>>
      %dma_start3A_149 = tpu.memref_squeeze %dma_start3A_148 : memref<1x128xi32, #tpu.memory_space<vmem>> -> memref<128xi32, #tpu.memory_space<vmem>>
      %dma_start3A_150 = arith.constant 0 : i32
      %dma_start3A_151 = arith.constant 0 : i32
      %dma_start3A_152 = tpu.memref_slice %arg3[%dma_start3A_150, %dma_start3A_151] : memref<16384x128xf32, #tpu.memory_space<hbm>> -> memref<16384x128xf32, #tpu.memory_space<hbm>>
      %dma_start3A_153 = arith.constant -1 : i32
      tpu.enqueue_indirect_dma source(%dma_start3A_152 : memref<16384x128xf32, #tpu.memory_space<hbm>>) target(%arg16 : memref<128x128xf32, #tpu.memory_space<vmem>>) offsets(%dma_start3A_149 : memref<128xi32, #tpu.memory_space<vmem>>) offset_filter(%dma_start3A_153) semaphore(%arg17 : memref<!tpu.dma_semaphore, #tpu.memory_space<semaphore_mem>>)
      %dma_wait3A = arith.constant 0 : i32
      %dma_wait3A_154 = tpu.memref_slice %arg14[%while3A_147, %dma_wait3A] : memref<25x128xi32, #tpu.memory_space<vmem>> -> memref<1x128xi32, #tpu.memory_space<vmem>>
      %dma_wait3A_155 = tpu.memref_squeeze %dma_wait3A_154 : memref<1x128xi32, #tpu.memory_space<vmem>> -> memref<128xi32, #tpu.memory_space<vmem>>
      %dma_wait3A_156 = arith.constant 0 : i32
      %dma_wait3A_157 = arith.constant 0 : i32
      %dma_wait3A_158 = tpu.memref_slice %arg3[%dma_wait3A_156, %dma_wait3A_157] : memref<16384x128xf32, #tpu.memory_space<hbm>> -> memref<16384x128xf32, #tpu.memory_space<hbm>>
      tpu.wait_indirect_dma semaphore(%arg17 : memref<!tpu.dma_semaphore, #tpu.memory_space<semaphore_mem>>) src(%dma_wait3A_158 : memref<16384x128xf32, #tpu.memory_space<hbm>>) dst(%arg16 : memref<128x128xf32, #tpu.memory_space<vmem>>)
      %dma_start3A_159 = arith.constant 0 : i32
      %dma_start3A_160 = tpu.memref_slice %arg15[%while3A_147, %dma_start3A_159] : memref<25x128xi32, #tpu.memory_space<vmem>> -> memref<1x128xi32, #tpu.memory_space<vmem>>
      %dma_start3A_161 = tpu.memref_squeeze %dma_start3A_160 : memref<1x128xi32, #tpu.memory_space<vmem>> -> memref<128xi32, #tpu.memory_space<vmem>>
      %dma_start3A_162 = arith.constant 0 : i32
      %dma_start3A_163 = arith.constant 0 : i32
      %dma_start3A_164 = tpu.memref_slice %arg5[%dma_start3A_162, %dma_start3A_163] : memref<100000x128xf32, #tpu.memory_space<hbm>> -> memref<100000x128xf32, #tpu.memory_space<hbm>>
      %dma_start3A_165 = arith.constant -1 : i32
      tpu.enqueue_indirect_dma source(%arg16 : memref<128x128xf32, #tpu.memory_space<vmem>>) target(%dma_start3A_164 : memref<100000x128xf32, #tpu.memory_space<hbm>>) offsets(%dma_start3A_161 : memref<128xi32, #tpu.memory_space<vmem>>) offset_filter(%dma_start3A_165) semaphore(%arg17 : memref<!tpu.dma_semaphore, #tpu.memory_space<semaphore_mem>>)
      %dma_wait3A_166 = arith.constant 0 : i32
      %dma_wait3A_167 = tpu.memref_slice %arg15[%while3A_147, %dma_wait3A_166] : memref<25x128xi32, #tpu.memory_space<vmem>> -> memref<1x128xi32, #tpu.memory_space<vmem>>
      %dma_wait3A_168 = tpu.memref_squeeze %dma_wait3A_167 : memref<1x128xi32, #tpu.memory_space<vmem>> -> memref<128xi32, #tpu.memory_space<vmem>>
      %dma_wait3A_169 = arith.constant 0 : i32
      %dma_wait3A_170 = arith.constant 0 : i32
      %dma_wait3A_171 = tpu.memref_slice %arg5[%dma_wait3A_169, %dma_wait3A_170] : memref<100000x128xf32, #tpu.memory_space<hbm>> -> memref<100000x128xf32, #tpu.memory_space<hbm>>
      tpu.wait_indirect_dma semaphore(%arg17 : memref<!tpu.dma_semaphore, #tpu.memory_space<semaphore_mem>>) src(%arg16 : memref<128x128xf32, #tpu.memory_space<vmem>>) dst(%dma_wait3A_171 : memref<100000x128xf32, #tpu.memory_space<hbm>>)
    }
    %while3A_146 = arith.constant 1 : i32
    scf.for %while3A_147 = %while3A_144 to %while3A_140 step %while3A_146  : i32 {
      %dma_start3A = arith.constant 0 : i32
      %dma_start3A_148 = tpu.memref_slice %arg14[%while3A_147, %dma_start3A] : memref<25x128xi32, #tpu.memory_space<vmem>> -> memref<1x128xi32, #tpu.memory_space<vmem>>
      %dma_start3A_149 = tpu.memref_squeeze %dma_start3A_148 : memref<1x128xi32, #tpu.memory_space<vmem>> -> memref<128xi32, #tpu.memory_space<vmem>>
      %dma_start3A_150 = arith.constant 0 : i32
      %dma_start3A_151 = arith.constant 0 : i32
      %dma_start3A_152 = tpu.memref_slice %arg3[%dma_start3A_150, %dma_start3A_151] : memref<16384x128xf32, #tpu.memory_space<hbm>> -> memref<16384x128xf32, #tpu.memory_space<hbm>>
      %dma_start3A_153 = arith.constant -1 : i32
      tpu.enqueue_indirect_dma source(%dma_start3A_152 : memref<16384x128xf32, #tpu.memory_space<hbm>>) target(%arg16 : memref<128x128xf32, #tpu.memory_space<vmem>>) offsets(%dma_start3A_149 : memref<128xi32, #tpu.memory_space<vmem>>) offset_filter(%dma_start3A_153) semaphore(%arg17 : memref<!tpu.dma_semaphore, #tpu.memory_space<semaphore_mem>>)
      %dma_wait3A = arith.constant 0 : i32
      %dma_wait3A_154 = tpu.memref_slice %arg14[%while3A_147, %dma_wait3A] : memref<25x128xi32, #tpu.memory_space<vmem>> -> memref<1x128xi32, #tpu.memory_space<vmem>>
      %dma_wait3A_155 = tpu.memref_squeeze %dma_wait3A_154 : memref<1x128xi32, #tpu.memory_space<vmem>> -> memref<128xi32, #tpu.memory_space<vmem>>
      %dma_wait3A_156 = arith.constant 0 : i32
      %dma_wait3A_157 = arith.constant 0 : i32
      %dma_wait3A_158 = tpu.memref_slice %arg3[%dma_wait3A_156, %dma_wait3A_157] : memref<16384x128xf32, #tpu.memory_space<hbm>> -> memref<16384x128xf32, #tpu.memory_space<hbm>>
      tpu.wait_indirect_dma semaphore(%arg17 : memref<!tpu.dma_semaphore, #tpu.memory_space<semaphore_mem>>) src(%dma_wait3A_158 : memref<16384x128xf32, #tpu.memory_space<hbm>>) dst(%arg16 : memref<128x128xf32, #tpu.memory_space<vmem>>)
      %dma_start3A_159 = arith.constant 0 : i32
      %dma_start3A_160 = tpu.memref_slice %arg15[%while3A_147, %dma_start3A_159] : memref<25x128xi32, #tpu.memory_space<vmem>> -> memref<1x128xi32, #tpu.memory_space<vmem>>
      %dma_start3A_161 = tpu.memref_squeeze %dma_start3A_160 : memref<1x128xi32, #tpu.memory_space<vmem>> -> memref<128xi32, #tpu.memory_space<vmem>>
      %dma_start3A_162 = arith.constant 0 : i32
      %dma_start3A_163 = arith.constant 0 : i32
      %dma_start3A_164 = tpu.memref_slice %arg5[%dma_start3A_162, %dma_start3A_163] : memref<100000x128xf32, #tpu.memory_space<hbm>> -> memref<100000x128xf32, #tpu.memory_space<hbm>>
      %dma_start3A_165 = arith.constant -1 : i32
      tpu.enqueue_indirect_dma source(%arg16 : memref<128x128xf32, #tpu.memory_space<vmem>>) target(%dma_start3A_164 : memref<100000x128xf32, #tpu.memory_space<hbm>>) offsets(%dma_start3A_161 : memref<128xi32, #tpu.memory_space<vmem>>) offset_filter(%dma_start3A_165) semaphore(%arg17 : memref<!tpu.dma_semaphore, #tpu.memory_space<semaphore_mem>>)
      %dma_wait3A_166 = arith.constant 0 : i32
      %dma_wait3A_167 = tpu.memref_slice %arg15[%while3A_147, %dma_wait3A_166] : memref<25x128xi32, #tpu.memory_space<vmem>> -> memref<1x128xi32, #tpu.memory_space<vmem>>
      %dma_wait3A_168 = tpu.memref_squeeze %dma_wait3A_167 : memref<1x128xi32, #tpu.memory_space<vmem>> -> memref<128xi32, #tpu.memory_space<vmem>>
      %dma_wait3A_169 = arith.constant 0 : i32
      %dma_wait3A_170 = arith.constant 0 : i32
      %dma_wait3A_171 = tpu.memref_slice %arg5[%dma_wait3A_169, %dma_wait3A_170] : memref<100000x128xf32, #tpu.memory_space<hbm>> -> memref<100000x128xf32, #tpu.memory_space<hbm>>
      tpu.wait_indirect_dma semaphore(%arg17 : memref<!tpu.dma_semaphore, #tpu.memory_space<semaphore_mem>>) src(%arg16 : memref<128x128xf32, #tpu.memory_space<vmem>>) dst(%dma_wait3A_171 : memref<100000x128xf32, #tpu.memory_space<hbm>>)
    }
    return
  }
}

</mosaic_0001>

<sc_bundles>
// kernel: kernel.3.cloned.1.call-start
scs
__scs_entry_jumppad:
0x0: {  	(pc) =	sbr.rel $0x88, $3  }
0x1: {  	(tag) =	ssettag $0x0;
	lr =	simm.s32 $0x1  }
0x2: {  	[smem:$0x3F9E] =	sst lr;
	_ =	strace $0xD0000000  }
0x3: {  	_ = 	snop  }
0x4: {  	_ = 	snop  }
0x5: {  	_ = 	snop  }
0x6: {  	_ = 	snop  }
0x7: {  	_ = 	snop  }
__scs_overlays_trampoline_lowered:
0x8: {  	[smem:$0x3FAD] =	sst s0  }
0x9: {  	[smem:$0x3FAE] =	sst s1  }
0xa: {  	[smem:$0x3FAF] =	sst s2  }
0xb: {  	[smem:$0x3FB0] =	sst s3  }
0xc: {  	[smem:$0x3FB1] =	sst s4  }
0xd: {  	[smem:$0x3FB2] =	sst s5  }
0xe: {  	[smem:$0x3FB3] =	sst s6  }
0xf: {  	[smem:$0x3FB4] =	sst s7  }
0x10: {  	[smem:$0x3FB5] =	sst s8  }
0x11: {  	[smem:$0x3FB6] =	sst s9;
	s0 =	simm.s32 @!p0 $0x0  }
0x12: {  	s1 =	sld [smem:$0x3F9C];
	s0 =	simm.s32 @p0 $0x1  }
0x13: {  	[smem:$0x3FB7] =	sst s0;
	s0 =	simm.s32 @!p1 $0x0  }
0x14: {  	s2 =	sld [smem:$0x3F9B];
	s0 =	simm.s32 @p1 $0x1  }
0x15: {  	[smem:$0x3FB8] =	sst s0;
	s0 =	simm.s32 @!p2 $0x0  }
0x16: {  	s3 =	sld [smem:$0x3FDB];
	s0 =	simm.s32 @p2 $0x1  }
0x17: {  	s4 =	simm.s32 $0x1BF5;
	[smem:$0x3FBA] =	sst s0  }
0x18: {  	s0 =	sld [smem:$0x3F9D];
	_ =	swait.ge [sflag:s4], $0x0  }
0x19: {  	s7 =	sld [smem:$0x3F9E]  }
0x1a: {  	s8 =	sadd.s32 $0xFFFFE003, lr  }
0x1b: {  	s9 =	sadd.s32 $0xFFFFFEF7, lr;
	s5 =	simm.s32 $0xFFFFFFFF;
	p2 =	slt.u32 s8, $0xFFFFF086  }
0x1c: {  	p1 =	slt.u32 s9, $0xF7A;
	s5 =	simm.s32 @!p2 $0x0  }
0x1d: {  	s5 =	simm.s32 @p1 $0x1;
	p0 =	seq.s32 s7, s2  }
0x1e: {  	s7 =	smul.u32 @!p0 $0xF7A, s2;
	p2 =	seq.s32 @!p0 s5, $0x0  }
0x1f: {  	s9 =	smul.u32 $0xF7A, s1;
	s8 =	simm.s32 @!p0 $0x1BF5;
	p2 =	por !p2, p0  }
0x20: {  	[sflag:s8] =	ssyncset.s32 @!p0 $0xFFFFF086;
	s6 =	sadd.s32 @!p0 s3, s7;
	s7 =	simm.s32 @!p0 $0x108  }
0x21: {  	s3 =	sadd.s32 s3, s9;
	s6 =	sadd.s32 @!p0 $0x88, s6;
	s7 =	simm.s32 @p2 $0x1082  }
0x22: {  	[simem:s7], [sflag:s8] =	dma.local @!p0 [hbm:s6], $0xF7A  }
0x23: {  	s9 =	sor.u32 $0xD0000000, s2;
	s6 =	simm.s32 $0x108;
	_ =	swait.ge @!p0 [sflag:s8], $0x0  }
0x24: {  	s3 =	sadd.s32 $0x88, s3;
	s6 =	simm.s32 @!p1 $0x1082;
	[sflag:s4] =	ssyncset.s32 $0xFFFFF086  }
0x25: {  	[simem:s6], [sflag:s4] =	dma.local [hbm:s3], $0xF7A  }
0x26: {  	[smem:$0x3F9E] =	sst s1;
	(tag) =	ssettag s2;
	_ =	strace s9  }
0x27: {  	s1 =	sld [smem:$0x3FAE]  }
0x28: {  	s2 =	sld [smem:$0x3FAF]  }
0x29: {  	s4 =	sld [smem:$0x3FB1]  }
0x2a: {  	p0 =	seq.s32 s5, $0x0;
	s5 =	sld [smem:$0x3FB2]  }
0x2b: {  	s6 =	sld [smem:$0x3FB3]  }
0x2c: {  	s7 =	sld [smem:$0x3FB4]  }
0x2d: {  	s3 =	simm.s32 $0x108;
	s8 =	sld [smem:$0x3FB5]  }
0x2e: {  	s3 =	simm.s32 @!p0 $0x1082;
	s9 =	sld [smem:$0x3FB6]  }
0x2f: {  	lr =	sadd.s32 s0, s3;
	s0 =	sld [smem:$0x3FAD]  }
0x30: {  	s3 =	sld [smem:$0x3FB0]  }
0x31: {  	[smem:$0x3FB9] =	sst s10  }
0x32: {  	s10 =	sld [smem:$0x3FB7];
	_ =	sdelay $0x3  }
0x33: {  	p0 =	seq.s32 s10, $0x1;
	s10 =	sld [smem:$0x3FB9];
	_ =	sdelay $0x3  }
0x34: {  	[smem:$0x3FB9] =	sst s10  }
0x35: {  	s10 =	sld [smem:$0x3FB8];
	_ =	sdelay $0x3  }
0x36: {  	p1 =	seq.s32 s10, $0x1;
	s10 =	sld [smem:$0x3FB9];
	_ =	sdelay $0x3  }
0x37: {  	[smem:$0x3FB9] =	sst s10  }
0x38: {  	s10 =	sld [smem:$0x3FBA]  }
0x39: {  	_ = 	snop;
	(pc) =	sbr.ind lr, $3  }
0x3a: {  	_ = 	snop  }
0x3b: {  	_ = 	snop  }
0x3c: {  	p2 =	seq.s32 s10, $0x1;
	s10 =	sld [smem:$0x3FB9]  }
0x3d: {  	_ =	shalt  }
0x3e: {  	_ =	shalt  }
0x3f: {  	_ =	shalt  }
0x40: {  	_ =	shalt  }
0x41: {  	_ =	shalt  }
0x42: {  	_ =	shalt  }
0x43: {  	_ =	shalt  }
0x44: {  	_ =	shalt  }
0x45: {  	_ =	shalt  }
0x46: {  	_ =	shalt  }
0x47: {  	_ =	shalt  }
0x48: {  	_ =	shalt  }
0x49: {  	_ =	shalt  }
0x4a: {  	_ =	shalt  }
0x4b: {  	_ =	shalt  }
0x4c: {  	_ =	shalt  }
0x4d: {  	_ =	shalt  }
0x4e: {  	_ =	shalt  }
0x4f: {  	_ =	shalt  }
0x50: {  	_ =	shalt  }
0x51: {  	_ =	shalt  }
0x52: {  	_ =	shalt  }
0x53: {  	_ =	shalt  }
0x54: {  	_ =	shalt  }
0x55: {  	_ =	shalt  }
0x56: {  	_ =	shalt  }
0x57: {  	_ =	shalt  }
0x58: {  	_ =	shalt  }
0x59: {  	_ =	shalt  }
0x5a: {  	_ =	shalt  }
0x5b: {  	_ =	shalt  }
0x5c: {  	_ =	shalt  }
0x5d: {  	_ =	shalt  }
0x5e: {  	_ =	shalt  }
0x5f: {  	_ =	shalt  }
0x60: {  	_ =	shalt  }
0x61: {  	_ =	shalt  }
0x62: {  	_ =	shalt  }
0x63: {  	_ =	shalt  }
0x64: {  	_ =	shalt  }
0x65: {  	_ =	shalt  }
0x66: {  	_ =	shalt  }
0x67: {  	_ =	shalt  }
0x68: {  	_ =	shalt  }
0x69: {  	_ =	shalt  }
0x6a: {  	_ =	shalt  }
0x6b: {  	_ =	shalt  }
0x6c: {  	_ =	shalt  }
0x6d: {  	_ =	shalt  }
0x6e: {  	_ =	shalt  }
0x6f: {  	_ =	shalt  }
0x70: {  	_ =	shalt  }
0x71: {  	_ =	shalt  }
0x72: {  	_ =	shalt  }
0x73: {  	_ =	shalt  }
0x74: {  	_ =	shalt  }
0x75: {  	_ =	shalt  }
0x76: {  	_ =	shalt  }
0x77: {  	_ =	shalt  }
0x78: {  	_ =	shalt  }
0x79: {  	_ =	shalt  }
0x7a: {  	_ =	shalt  }
0x7b: {  	_ =	shalt  }
0x7c: {  	_ =	shalt  }
0x7d: {  	_ =	shalt  }
0x7e: {  	_ =	shalt  }
0x7f: {  	_ =	shalt  }
0x80: {  	_ =	shalt  }
0x81: {  	_ =	shalt  }
0x82: {  	_ =	shalt  }
0x83: {  	_ =	shalt  }
0x84: {  	_ =	shalt  }
0x85: {  	_ =	shalt  }
0x86: {  	_ =	shalt  }
0x87: {  	_ =	shalt  }
.Lfunc_end0:
.L_simem_size_0:
called_computation_lowered:
.L_overlay_start_0:
0x88: {  	s2 =	sld [smem:$0x3FD9]  }
0x89: {  	s3 =	sld [smem:$0x3FFE];
	_ =	sdelay $0x1  }
0x8a: {  	s1 =	srdreg.scid  }
0x8b: {  	s0 =	sand.u32 $0x1, s1  }
0x8c: {  	s14 =	sshll.u32 s0, $0xA;
	s2 =	sadd.s32 s3, s2  }
0x8d: {  	s2 =	sadd.s32 s2, s14  }
0x8e: {  	[smem:$0x3FC5] =	sst s2  }
0x8f: {  	_ = 	snop  }
0x90: {  	s2 =	sld [smem:$0x3FD0]  }
0x91: {  	s15 =	sld [smem:$0x3FC9]  }
0x92: {  	s4 =	sld [smem:$0x3FC8]  }
0x93: {  	s6 =	simm.s32 $0xA;
	s7 =	simm.s32 $0x10;
	s5 =	sld [smem:$0x3FC7]  }
0x94: {  	[smem:s7], [sflag:s6] =	dma.local [hbm:s2], $0x1  }
0x95: {  	_ =	swait.eq [sflag:s6], $0x1  }
0x96: {  	[sflag:s6] =	ssyncset.done $0x0  }
0x97: {  	s16 =	sld [smem:$0x11];
	[sflag:s6] =	ssyncadd.s32 $0xFFFFFFFF  }
0x98: {  	s17 =	sld [smem:$0x12];
	(tm) =	ssettm $0x1  }
0x99: {  	s18 =	sld [smem:$0x3FFB];
	_ =	sdelay $0x3  }
0x9a: {  	_ =	strace s18  }
0x9b: {  	s7 =	sld [smem:$0x3FFC];
	_ =	sdelay $0x3  }
0x9c: {  	_ =	strace s7  }
0x9d: {  	s7 =	sld [smem:$0x3FFD];
	_ =	sdelay $0x3  }
0x9e: {  	_ =	strace s7  }
0x9f: {  	_ =	strace $0x8FFFFFFF  }
0xa0: {  	s19 =	sld [smem:$0x3FDB];
	_ =	sdelay $0x1  }
0xa1: {  	s8 =	simm.s32 $_scs_section_size  }
0xa2: {  	s9 =	simm.s32 $_size__tile_overlayer_lowered;
	s10 =	simm.s32 $_tile_overlayer_lowered  }
0xa3: {  	s22 =	simm.s32 $0x1BFF;
	s21 =	sshll.u32 s10, $0x1;
	s7 =	sadd.s32 s8, s19  }
0xa4: {  	s11 =	simm.s32 $0x0;
	s20 =	sshll.u32 s9, $0x1;
	s9 =	sadd.s32 s21, s7  }
0xa5: {  	[timem:s11], [sflag:s22] =	dma.local [hbm:s9], s20  }
0xa6: {  	_ =	swait.ge [sflag:s22], s20  }
0xa7: {  	s8 =	ssub.s32 $0x0, s20;
	[sflag:s22] =	ssyncset.done $0x0  }
0xa8: {  	[sflag:s22] =	ssyncadd.s32 s8;
	_ =	sdelay $0x1  }
0xa9: {  	s23 =	simm.s32 $0x1B8B  }
0xaa: {  	_ =	swait.ge [sflag:s23], $0x1  }
0xab: {  	[sflag:s23] =	ssyncset.done $0x0  }
0xac: {  	s25 =	simm.s32 $0x1B8E;
	s24 =	sld [smem:$0x3FFE];
	[sflag:s23] =	ssyncadd.s32 $0xFFFFFFFF  }
0xad: {  	s26 =	simm.s32 $execute0_lowered;
	[smem:$0x3FD2] =	sst s25  }
0xae: {  	s9 =	sshll.u32 s26, $0x1;
	_ =	strace $0x80000046;
	[dreg:$0x1] =	wrdreg $0xFFFFFFFF  }
0xaf: {  	s28 =	simm.s32 $_size_execute0_lowered;
	s7 =	sadd.s32 s7, s9;
	[dreg:$0x0] =	wrdreg $0x0  }
0xb0: {  	s9 =	sshll.u32 s28, $0x1;
	[dreg:$0x2] =	wrdreg s7  }
0xb1: {  	[dreg:$0x3] =	wrdreg s9  }
0xb2: {  	[dreg:$0x4] =	wrdreg $0xC0  }
0xb3: {  	_ =	task [dreg:s11], $0x5FFFF  }
0xb4: {  	[dreg:$0x1] =	wrdreg $0xFFFFFFFF  }
0xb5: {  	[dreg:$0x0] =	wrdreg $0x60  }
0xb6: {  	[dreg:$0x2] =	wrdreg s15  }
0xb7: {  	[dreg:$0x3] =	wrdreg s4  }
0xb8: {  	[dreg:$0x4] =	wrdreg s5  }
0xb9: {  	[dreg:$0x5] =	wrdreg s16  }
0xba: {  	[dreg:$0x6] =	wrdreg s24  }
0xbb: {  	[dreg:$0x7] =	wrdreg s17  }
0xbc: {  	[dreg:$0x8] =	wrdreg $0x9  }
0xbd: {  	_ =	task.clear_ibuf [dreg:s11], $0x9FFFF;
	_ =	strace $0x90000046  }
0xbe: {  	s29 =	simm.s32 $0x9;
	_ =	strace $0x80000048  }
0xbf: {  	_ =	swait.ge [sflag:s29], $0x1  }
0xc0: {  	[sflag:s29] =	ssyncadd.s32 $0xFFFFFFFF  }
0xc1: {  	_ =	strace $0x90000048  }
0xc2: {  	_ =	sfence  }
0xc3: {  	s30 =	sld [smem:$0x0];
	_ =	sdelay $0x2  }
0xc4: {  	s31 =	sshll.u32 s1, $0xD;
	s1 =	sshrl.u32 s1, $0x2  }
0xc5: {  	s3 =	sand.u32 $0x4000, s31;
	s1 =	sadd.s32 s1, s30  }
0xc6: {  	s0 =	sor.u32 s3, s0;
	s1 =	sshll.u32 s1, $0x11  }
0xc7: {  	s0 =	sor.u32 s1, s0  }
0xc8: {  	s0 =	sadd.s32 $0x8F2B, s0  }
0xc9: {  	[sflag:s0] =	ssyncadd.remote.s32 $0x1  }
0xca: {  	_ =	sfence.sel $0xFFFF  }
0xcb: {  	[dreg:$0x0] =	wrdreg $0xFFFFFFFF;
	(pc) =	sbr.abs _section_cstart, $3  }
0xcc: {  	[dreg:$0x1] =	wrdreg $0xFFFFFFFF  }
0xcd: {  	_ =	task.clear_ibuf [dreg:s11], $0x2FFFF;
	_ =	strace $0x9FFFFFFF  }
0xce: {  	(tm) =	ssettm $0x7FFFFFFF  }
0xcf: {  	_ =	shalt  }
tec
execute0_lowered:
.L_overlay_start_1:
0x0: {  	(tag) =	ssettag $0x1  }
0x1: {  	s0 =	rddreg [dreg:$0x0]  }
0x2: {  	s2 =	rddreg [dreg:$0x1]  }
0x3: {  	s3 =	rddreg [dreg:$0x2]  }
0x4: {  	s4 =	rddreg [dreg:$0x3];
	s5 =	srdreg.scid  }
0x5: {  	s1 =	stileid.u32;
	s7 =	rddreg [dreg:$0x4]  }
0x6: {  	s9 =	rddreg [dreg:$0x5];
	s6 =	simm.s32 $0x0;
	s14 =	simm.s32 $0xA580  }
0x7: {  	s15 =	simm.s32 $0xB580;
	s18 =	simm.s32 $0x1;
	s19 =	simm.s32 $0x80  }
0x8: {  	s20 =	simm.s32 $0xC580;
	s21 =	simm.s32 $0x0;
	s8 =	sand.u32 $0x1, s5  }
0x9: {  	s30 =	sshll.u32 s1, $0x1;
	s5 =	rddreg [dreg:$0x6];
	s13 =	smul.u32 $0x1880, s1  }
0xa: {  	s10 =	sor.u32 s8, s30;
	s11 =	ssub.s32 $0x2, s8;
	s31 =	smul.u32 $0xC40, s8  }
0xb: {  	[smem:$0x7FF] =	sst s6;
	s16 =	smul.u32 $0xC40, s10;
	s12 =	sshrl.u32 s11, $0x1  }
.Ltmp0:
0xc: {  	_ =	strace $0x80000047;
	s11 =	ssub.s32 s11, s12;
	(pc) =	sbr.rel .LBB2_1-.Ltmp0, $4  }
0xd: {  	s12 =	simm.s32 $0x4000;
	s10 =	sshrl.u32 s16, $0x3;
	s17 =	sadd.s32 $0xC40, s16  }
0xe: {  	v0 =	vmov s16;
	s16 =	simm.s32 $0x8C80;
	s7 =	sadd.s32 s10, s7;
	s8 =	sadd.s32 s9, s10  }
0xf: {  	v2 =	vimm.s32 $0xFFFFFFFF;
	s9 =	smax.u32 s11, $0x1;
	s10 =	sadd.s32 s31, s13;
	s11 =	simm.s32 $0x2  }
0x10: {  	v3 =	vlaneseq.u32;
	v4 =	vimm.s32 $0x0;
	s13 =	simm.s32 $0x8000;
	v1 =	vmov s17;
	s17 =	simm.s32 $0x9900;
	s7 =	sadd.s32 $0x800, s7  }
.LBB2_9:
0x11: {  	s24 =	simm.s32 $0xA580  }
.LBB2_13:
0x12: {  	s24 =	sadd.s32 @p0 $0x80, s24  }
0x13: {  	(ifvalue) =	ssetifvalue $0xFFFFFFFF;
	[sflag:s18] =	ssyncadd.s32 @p0 $0xFFFFC000;
	s23 =	smov.u32 @p0 s24  }
0x14: {  	[tilespmem:s20], [sflag:$0x1] =	stream.indirect.gather [hbm4b:s2+s19], $0x80, s23, s19, $0x40b8;
	[tilespmem:$0x10580] =	vst v63  }
0x15: {  	_ =	swait.ge [sflag:s18], $0x4000  }
0x16: {  	[sflag:s18] =	ssyncset.done $0x0  }
0x17: {  	[sflag:s18] =	ssyncadd.s32 $0xFFFFC000;
	(ifvalue) =	ssetifvalue $0xFFFFFFFF  }
0x18: {  	(ifvalue) =	ssetifvalue $0xFFFFFFFF  }
0x19: {  	[hbm4b:s4+s19] =	stream.indirect.scatter [tilespmem:s20], [sflag:$0x1], $0x80, s22, s19, $0x40b8;
	[tilespmem:$0x10580] =	vst v63  }
0x1a: {  	_ =	swait.ge [sflag:s18], $0x4000  }
0x1b: {  	[sflag:s18] =	ssyncset.done $0x0  }
0x1c: {  	[sflag:s18] =	ssyncadd.s32 $0xFFFFC000  }
.LBB2_14:
0x1d: {  	s21 =	sadd.s32 $0x1, s21  }
0x1e: {  	p0 =	sne.s32 s21, s9  }
.Ltmp1:
0x1f: {  	_ = 	snop;
	(pc) =	sbr.rel @!p0 .LBB2_15-.Ltmp1, $1  }
0x20: {  	_ =	sdelay $0x3  }
.LBB2_1:
0x21: {  	[tilespmem:s6], [sflag:$0x2] =	stream.linear.gather [hbm4b:s0+s6], $0x4000, $0x38;
	[tilespmem:$0x10580] =	vst v63  }
0x22: {  	_ =	swait.ge [sflag:s11], $0x4000  }
0x23: {  	[sflag:s11] =	ssyncset.done $0x0  }
0x24: {  	[sflag:s11] =	ssyncadd.s32 $0xFFFFC000  }
0x25: {  	[tilespmem:s12], [sflag:$0x2] =	stream.linear.gather [hbm4b:s3+s6], $0x4000, $0x38;
	[tilespmem:$0x10580] =	vst v63  }
0x26: {  	_ =	swait.ge [sflag:s11], $0x4000  }
0x27: {  	[sflag:s11] =	ssyncset.done $0x0  }
0x28: {  	s22 =	simm.s32 $0x40;
	s23 =	simm.s32 $0x0;
	[sflag:s11] =	ssyncadd.s32 $0xFFFFC000  }
.LBB2_2:
0x29: {  	p0 =	sne.s32 s22, $0x30C0;
	[tilespmem:s23+$0x8000] =	vst v2;
	s23 =	smov.u32 s22;
	s22 =	sadd.s32 $0x40, s22  }
.Ltmp2:
0x2a: {  	(pc) =	sbr.rel @p0 .LBB2_2-.Ltmp2, $2  }
0x2b: {  	_ =	sdelay $0x2  }
0x2c: {  	s23 =	sshra.s32 s23, $0x2  }
0x2d: {  	[tilespmem:s23+$0x8000] =	vst v2;
	s22 =	simm.s32 $0x0  }
0x2e: {  	s24 =	simm.s32 $0x10;
	s23 =	simm.s32 $0x0;
	s25 =	simm.s32 $0x0;
	v5 =	vld [tilespmem:s22+$0x0]  }
.LBB2_4:
0x2f: {  	p0 =	sne.s32 s24, $0x3FF0;
	_ =	sdelay $0x3  }
0x30: {  	vm0 =	vge.s32 v5, v0;
	vm1 =	vlt.s32 v5, v1  }
0x31: {  	vm0 =	vmand vm0, vm1  }
0x32: {  	(xrf1) =	vunique.msk.u32 vm0, v5;
	_ =	sdelay $0xd  }
0x33: {  	_, v6, vm1 =	vpop (xrf1)  }
0x34: {  	vm0 =	vmand vm0, vm1  }
0x35: {  	v5 =	vsub.s32 v5, v0;
	_ =	sdelay $0x1  }
.Ltmp3:
0x36: {  	(pc) =	sbr.rel @p0 .LBB2_4-.Ltmp3, $4  }
0x37: {  	_ = 	snop  }
0x38: {  	v6 =	vor.u32 s23, v3;
	s23 =	smov.u32 s24  }
0x39: {  	s25 =	sadd.s32 $0x10, s25;
	[tilespmem:v5+s13+$0x0] =	vst.idx.msk vm0, v6  }
0x3a: {  	s24 =	sadd.s32 $0x10, s24;
	v5 =	vld [tilespmem:s25+$0x0]  }
0x3b: {  	_ =	sdelay $0x3  }
0x3c: {  	vm0 =	vge.s32 v5, v0;
	vm1 =	vlt.s32 v5, v1  }
0x3d: {  	vm0 =	vmand vm0, vm1  }
0x3e: {  	(xrf1) =	vunique.msk.u32 vm0, v5;
	_ =	sdelay $0xd  }
0x3f: {  	_, v6, vm1 =	vpop (xrf1)  }
0x40: {  	vm0 =	vmand vm0, vm1  }
0x41: {  	v5 =	vsub.s32 v5, v0;
	_ =	sdelay $0x3  }
0x42: {  	v6 =	vor.u32 s23, v3  }
0x43: {  	s30 =	simm.s32 $0x0;
	[tilespmem:v5+s13+$0x0] =	vst.idx.msk vm0, v6  }
0x44: {  	v5 =	vld [tilespmem:s30+$0x8000];
	_ =	sdelay $0x4  }
0x45: {  	vm0 =	vgt.s32 v5, $0xFFFFFFFF  }
0x46: {  	v6 =	vsel vm0, $0x1, v4  }
0x47: {  	(xrf0) =	vadd.scan.msk.s32 $0xffff, v6;
	_ =	sdelay $0x5  }
0x48: {  	v7, _, _ =	vpop (xrf0)  }
0x49: {  	v8 =	vxor.u32 $0x80000000, v7  }
0x4a: {  	(xrf0) =	vmax.scan.msk.u32 $0xffff, v8;
	v8 =	vand.u32 $0x3FFF, v5;
	_ =	sdelay $0x2  }
0x4b: {  	v9 =	vmov s22  }
0x4c: {  	[tilespmem:s30+$0x8C80] =	vst v6;
	v6 =	vadd.s32 $0xFFFFFFFF, v9  }
0x4d: {  	v6 =	vbroadcast v6, $0x0;
	v8 =	vld.idx.msk [tilespmem:v8+s12+$0x0], vm0;
	_ =	sdelay $0x1  }
0x4e: {  	v6 =	vadd.s32 v7, v6  }
0x4f: {  	v63, _, _ =	vpop (xrf0)  }
0x50: {  	(v2sf) =	vpush v63, $0xF  }
0x51: {  	v7 =	vnsel vm0, $0x0, v8  }
0x52: {  	[tilespmem:s30+$0x9900] =	vst v7  }
0x53: {  	[tilespmem:v6+s14+$0x0] =	vst.idx.msk vm0, v5;
	v5 =	vor.u32 s10, v3  }
0x54: {  	s22 =	simm.s32 $0x10;
	[tilespmem:v6+s15+$0x0] =	vst.idx.msk vm0, v5  }
0x55: {  	v5 =	vld [tilespmem:s22+$0x8000];
	_ =	sdelay $0x4  }
0x56: {  	vm0 =	vgt.s32 v5, $0xFFFFFFFF  }
0x57: {  	v6 =	vsel vm0, $0x1, v4  }
0x58: {  	(xrf0) =	vadd.scan.msk.s32 $0xffff, v6;
	_ =	sdelay $0x2  }
0x59: {  	v7 =	vand.u32 $0x3FFF, v5;
	s31 =	spop (v2sf)  }
0x5a: {  	s24 =	simm.s32 $0x80;
	s23 =	smov.u32 s10;
	s25 =	sadd.s32 $0x0, s31  }
.LBB2_6:
0x5b: {  	s25 =	sadd.s32 $0x80000000, s25  }
0x5c: {  	v8, _, _ =	vpop (xrf0);
	s23 =	sadd.s32 $0x10, s23;
	s26 =	smov.u32 s24;
	s28 =	sadd.s32 $0x40, s24  }
0x5d: {  	p0 =	sne.s32 s24, $0x30C0;
	[tilespmem:s22+$0x8C80] =	vst v6;
	v6 =	vmov s25;
	v9 =	vxor.u32 $0x80000000, v8  }
0x5e: {  	v7 =	vld.idx.msk [tilespmem:v7+s12+$0x0], vm0;
	v6 =	vadd.s32 $0xFFFFFFFF, v6;
	(xrf0) =	vmax.scan.msk.u32 $0xffff, v9  }
0x5f: {  	v6 =	vbroadcast v6, $0x0;
	_ =	sdelay $0x1  }
0x60: {  	v6 =	vadd.s32 v8, v6;
	_ =	sdelay $0x2  }
0x61: {  	v7 =	vnsel vm0, $0x0, v7;
	v8, _, _ =	vpop (xrf0)  }
0x62: {  	[tilespmem:s22+$0x9900] =	vst v7;
	(v2sf) =	vpush v8, $0xF  }
0x63: {  	[tilespmem:v6+s14+$0x0] =	vst.idx.msk vm0, v5;
	v5 =	vor.u32 s23, v3  }
0x64: {  	[tilespmem:v6+s15+$0x0] =	vst.idx.msk vm0, v5  }
0x65: {  	s22 =	sshra.s32 s26, $0x2  }
0x66: {  	v5 =	vld [tilespmem:s22+$0x8000];
	_ =	sdelay $0x4  }
0x67: {  	vm0 =	vgt.s32 v5, $0xFFFFFFFF  }
0x68: {  	v6 =	vsel vm0, $0x1, v4  }
0x69: {  	(xrf0) =	vadd.scan.msk.s32 $0xffff, v6  }
.Ltmp4:
0x6a: {  	(pc) =	sbr.rel @p0 .LBB2_6-.Ltmp4, $4  }
0x6b: {  	_ = 	snop  }
0x6c: {  	v7 =	vand.u32 $0x3FFF, v5  }
0x6d: {  	s24 =	spop (v2sf)  }
0x6e: {  	s25 =	sadd.s32 s24, s25;
	s24 =	smov.u32 s28  }
0x6f: {  	v8, _, _ =	vpop (xrf0)  }
0x70: {  	v9 =	vxor.u32 $0x80000000, v8  }
0x71: {  	(xrf0) =	vmax.scan.msk.u32 $0xffff, v9;
	_ =	sdelay $0x5  }
0x72: {  	v9, _, _ =	vpop (xrf0)  }
0x73: {  	(v2sf) =	vpush v9, $0xF;
	_ =	sdelay $0x1  }
0x74: {  	s24 =	sadd.s32 $0x80000000, s25  }
0x75: {  	v61 =	vmov s24  }
0x76: {  	[tilespmem:s22+$0x8C80] =	vst v6;
	v6 =	vadd.s32 $0xFFFFFFFF, v61  }
0x77: {  	v7 =	vld.idx.msk [tilespmem:v7+s12+$0x0], vm0;
	v6 =	vbroadcast v6, $0x0;
	_ =	sdelay $0x1  }
0x78: {  	v6 =	vadd.s32 v8, v6;
	_ =	sdelay $0x2  }
0x79: {  	v7 =	vnsel vm0, $0x0, v7  }
0x7a: {  	s23 =	sadd.s32 $0x10, s23;
	[tilespmem:s22+$0x9900] =	vst v7  }
0x7b: {  	[tilespmem:v6+s14+$0x0] =	vst.idx.msk vm0, v5;
	v5 =	vor.u32 s23, v3  }
0x7c: {  	[tilespmem:v6+s15+$0x0] =	vst.idx.msk vm0, v5  }
0x7d: {  	[hbm4b:s7+s6] =	stream.linear.scatter [tilespmem:s16], [sflag:$0x2], $0xC40, $0x38;
	[tilespmem:$0x10580] =	vst v63  }
0x7e: {  	s28 =	spop (v2sf)  }
0x7f: {  	s22 =	sadd.s32 s28, s24  }
0x80: {  	s25 =	sadd.s32 $0x80000000, s22  }
0x81: {  	s22 =	sadd.s32 $0x7F, s25  }
0x82: {  	s29 =	sand.u32 $0x7F, s22  }
0x83: {  	s30 =	sshra.s32 s22, $0x1F;
	p0 =	slt.s32 s22, $0x1;
	p1 =	sne.s32 s29, $0x0  }
0x84: {  	s31 =	sshrl.u32 s30, $0x19;
	p0 =	por !p0, !p1  }
0x85: {  	s23 =	simm.s32 $0x1;
	s22 =	sadd.s32 s31, s22;
	p0 =	por !p0, !p0  }
0x86: {  	s22 =	sshra.s32 s22, $0x7;
	s23 =	simm.s32 @!p0 $0x0  }
0x87: {  	s24 =	ssub.s32 s22, s23  }
0x88: {  	_ =	swait.ge [sflag:s11], $0xC40;
	v5 =	vadd.s32 s25, v3;
	s26 =	sshll.u32 s24, $0x7  }
0x89: {  	[sflag:s11] =	ssyncset.done $0x0;
	s23 =	sadd.s32 $0x10, s25;
	vm11 =	vlt.s32 v5, s26  }
0x8a: {  	[sflag:s11] =	ssyncadd.s32 $0xFFFFF3C0;
	s28 =	sadd.s32 $0x20, s25;
	v6 =	vadd.s32 s23, v3  }
0x8b: {  	[hbm4b:s8+s6] =	stream.linear.scatter [tilespmem:s17], [sflag:$0x2], $0xC40, $0x38;
	vm1 =	vlt.s32 v6, s26;
	[tilespmem:$0x10580] =	vst v63  }
0x8c: {  	v7 =	vadd.s32 s28, v3;
	_ =	swait.ge [sflag:s11], $0xC40  }
0x8d: {  	s29 =	sadd.s32 $0x30, s25;
	[sflag:s11] =	ssyncset.done $0x0;
	vm2 =	vlt.s32 v7, s26  }
0x8e: {  	v62 =	vadd.s32 s29, v3;
	[sflag:s11] =	ssyncadd.s32 $0xFFFFF3C0;
	s23 =	simm.s32 $0xA580  }
0x8f: {  	s28 =	sadd.s32 $0x40, s25;
	s22 =	simm.s32 $0xB580;
	vm3 =	vlt.s32 v62, s26;
	[tilespmem:v5+s23+$0x0] =	vst.idx.msk vm11, v2  }
0x90: {  	[tilespmem:v5+s22+$0x0] =	vst.idx.msk vm11, v2;
	v5 =	vadd.s32 s28, v3  }
0x91: {  	s30 =	sadd.s32 $0x50, s25;
	[tilespmem:v6+s23+$0x0] =	vst.idx.msk vm1, v2;
	vm12 =	vlt.s32 v5, s26  }
0x92: {  	[tilespmem:v6+s22+$0x0] =	vst.idx.msk vm1, v2;
	v6 =	vadd.s32 s30, v3  }
0x93: {  	s31 =	sadd.s32 $0x60, s25;
	[tilespmem:v7+s23+$0x0] =	vst.idx.msk vm2, v2;
	vm13 =	vlt.s32 v6, s26  }
0x94: {  	[tilespmem:v7+s22+$0x0] =	vst.idx.msk vm2, v2;
	v7 =	vadd.s32 s31, v3  }
0x95: {  	s25 =	sadd.s32 $0x70, s25;
	[tilespmem:v62+s23+$0x0] =	vst.idx.msk vm3, v2;
	vm14 =	vlt.s32 v7, s26  }
0x96: {  	v63 =	vadd.s32 s25, v3;
	[tilespmem:v62+s22+$0x0] =	vst.idx.msk vm3, v2  }
0x97: {  	vm15 =	vlt.s32 v63, s26;
	[tilespmem:v5+s23+$0x0] =	vst.idx.msk vm12, v2  }
0x98: {  	[tilespmem:v5+s22+$0x0] =	vst.idx.msk vm12, v2  }
0x99: {  	p0 =	slt.s32 s24, $0x1;
	[tilespmem:v6+s23+$0x0] =	vst.idx.msk vm13, v2  }
.Ltmp5:
0x9a: {  	[tilespmem:v6+s22+$0x0] =	vst.idx.msk vm13, v2;
	(pc) =	sbr.rel @p0 .LBB2_14-.Ltmp5, $4  }
0x9b: {  	[tilespmem:v7+s23+$0x0] =	vst.idx.msk vm14, v2  }
0x9c: {  	[tilespmem:v7+s22+$0x0] =	vst.idx.msk vm14, v2  }
0x9d: {  	[tilespmem:v63+s23+$0x0] =	vst.idx.msk vm15, v2  }
0x9e: {  	[tilespmem:v63+s22+$0x0] =	vst.idx.msk vm15, v2  }
0x9f: {  	p1 =	sne.s32 s24, $0x1  }
.Ltmp6:
0xa0: {  	_ = 	snop;
	(pc) =	sbr.rel @!p1 .LBB2_9-.Ltmp6, $2  }
0xa1: {  	_ =	sdelay $0x2  }
0xa2: {  	s24 =	sadd.s32 $0xFFFFFFFF, s24;
	(ifvalue) =	ssetifvalue $0xFFFFFFFF;
	p0 =	por $0x0, $0x0  }
0xa3: {  	(ifvalue) =	ssetifvalue $0xFFFFFFFF  }
0xa4: {  	[tilespmem:s20], [sflag:$0x1] =	stream.indirect.gather [hbm4b:s2+s19], $0x80, s23, s19, $0x40b8;
	[tilespmem:$0x10580] =	vst v63  }
0xa5: {  	_ =	swait.ge [sflag:s18], $0x4000  }
0xa6: {  	p1 =	sne.s32 s24, $0x1;
	[sflag:s18] =	ssyncset.done $0x0  }
.Ltmp7:
0xa7: {  	[sflag:s18] =	ssyncadd.s32 $0xFFFFC000;
	(ifvalue) =	ssetifvalue $0xFFFFFFFF;
	(pc) =	sbr.rel @!p1 .LBB2_11-.Ltmp7, $4  }
0xa8: {  	s25 =	sadd.s32 $0xFFFFFFFF, s24;
	(ifvalue) =	ssetifvalue $0xFFFFFFFF  }
0xa9: {  	[hbm4b:s4+s19] =	stream.indirect.scatter [tilespmem:s20], [sflag:$0x1], $0x80, s22, s19, $0x40b8;
	[tilespmem:$0x10580] =	vst v63  }
0xaa: {  	p0 =	por $0x1, $0x1;
	s24 =	simm.s32 $0xA580;
	_ =	swait.ge [sflag:s18], $0x4000  }
0xab: {  	s22 =	sadd.s32 $0x80, s22;
	(ifvalue) =	ssetifvalue $0xFFFFFFFF;
	[sflag:s18] =	ssyncset.done $0x0  }
.LBB2_12:
0xac: {  	(ifvalue) =	ssetifvalue $0xFFFFFFFF;
	[sflag:s18] =	ssyncadd.s32 $0xFFFFC000;
	s24 =	sadd.s32 $0x80, s24  }
0xad: {  	[tilespmem:s20], [sflag:$0x1] =	stream.indirect.gather [hbm4b:s2+s19], $0x80, s24, s19, $0x40b8;
	[tilespmem:$0x10580] =	vst v63  }
0xae: {  	p1 =	sne.s32 s25, $0x1;
	s25 =	sadd.s32 $0xFFFFFFFF, s25;
	_ =	swait.ge [sflag:s18], $0x4000  }
0xaf: {  	[sflag:s18] =	ssyncset.done $0x0  }
0xb0: {  	[sflag:s18] =	ssyncadd.s32 $0xFFFFC000  }
.Ltmp8:
0xb1: {  	(ifvalue) =	ssetifvalue $0xFFFFFFFF;
	(pc) =	sbr.rel @p1 .LBB2_12-.Ltmp8, $4  }
0xb2: {  	(ifvalue) =	ssetifvalue $0xFFFFFFFF  }
0xb3: {  	[hbm4b:s4+s19] =	stream.indirect.scatter [tilespmem:s20], [sflag:$0x1], $0x80, s22, s19, $0x40b8;
	[tilespmem:$0x10580] =	vst v63  }
0xb4: {  	_ =	swait.ge [sflag:s18], $0x4000  }
0xb5: {  	s22 =	sadd.s32 $0x80, s22;
	(ifvalue) =	ssetifvalue $0xFFFFFFFF;
	[sflag:s18] =	ssyncset.done $0x0  }
.Ltmp9:
0xb6: {  	_ = 	snop;
	(pc) =	sbr.rel .LBB2_13-.Ltmp9, $1  }
0xb7: {  	_ =	sdelay $0x3  }
.LBB2_11:
.Ltmp10:
0xb8: {  	(pc) =	sbr.rel .LBB2_13-.Ltmp10, $2  }
0xb9: {  	_ =	sdelay $0x2  }
0xba: {  	s24 =	simm.s32 $0xA580  }
.LBB2_15:
0xbb: {  	_ =	sfence.sel $0x180000  }
0xbc: {  	[bflag:$0x0] =	sbarrier.arrive $0xFFFF  }
0xbd: {  	p0 =	sne.s32 s1, $0x0;
	_ =	strace $0x90000047  }
0xbe: {  	s0 =	sadd.s32 @!p0 $0x100000, s5;
	[bflag:$0x2] =	sbarrier.arrive $0xFFFF  }
0xbf: {  	[sflag:s0] =	ssyncadd.tile.s32 @!p0 $0x1;
	_ =	shalt  }
.Lfunc_end2:
_tile_overlayer_lowered:
.L_overlay_start_2:
0xc0: {  	(tag) =	ssettag $0x2  }
0xc1: {  	s0 =	rddreg [dreg:$0x0];
	s2 =	stileid.u32  }
0xc2: {  	s1 =	rddreg [dreg:$0x1];
	p0 =	sne.s32 s2, $0x0  }
0xc3: {  	s3 =	rddreg [dreg:$0x2];
	[bflag:$0x3] =	sbarrier.arrive $0xFFFF;
	s2 =	simm.s32 @!p0 $0x1C02  }
0xc4: {  	[timem:s3], [sflag:s2] =	dma.local @!p0 [hbm:s0], s1  }
0xc5: {  	s0 =	simm.s32 @!p0 $0x2  }
0xc6: {  	_ =	swait.ge @!p0 [sflag:s0], s1  }
0xc7: {  	s1 =	ssub.s32 @!p0 $0x0, s1;
	[sflag:s0] =	ssyncset.done @!p0 $0x0  }
0xc8: {  	[sflag:s0] =	ssyncadd.s32 @!p0 s1  }
0xc9: {  	[bflag:$0x3] =	sbarrier.arrive $0xFFFF  }
0xca: {  	_ =	shalt  }

</sc_bundles>
